<compile_context>
chip_gen: v7x
topology: tpu7x:2x2x1
jax: 0.10.2.dev20260603
libtpu: 0.0.44.dev20260713+nightly
codegen_flags: <defaults>
</compile_context>

<pallas_src>
import functools

import jax
import jax.numpy as jnp
from jax import lax
from jax.experimental import pallas as pl
from jax.experimental.pallas import tpu as pltpu
from jax.experimental.pallas import tpu_sc as plsc

N_NODES = 10000
D = 128
NP = 10240
NC = 2
NS = 16
NW = NC * NS
CHUNK = 128
RPT = NP // NS


def _mesh():
    return plsc.VectorSubcoreMesh(core_axis_name="c", subcore_axis_name="s")



def _make_hist(ep):
    chunks = ep // (NW * CHUNK)
    eper = ep // NW

    @functools.partial(
        pl.kernel,
        mesh=_mesh(),
        out_type=jax.ShapeDtypeStruct((NC * NP,), jnp.float32),
        scratch_types=[
            pltpu.VMEM((CHUNK,), jnp.int32),
            pltpu.VMEM((CHUNK,), jnp.float32),
            pltpu.VMEM_SHARED((NP,), jnp.float32),
        ],
    )
    def hist(dst_hbm, zeros_hbm, out_hbm, idx_v, ones_v, acc_sh):
        c = lax.axis_index("c")
        s = lax.axis_index("s")
        wid = s * NC + c
        for j in range(CHUNK // 16):
            ones_v[pl.ds(j * 16, 16)] = jnp.full((16,), 1.0, jnp.float32)
        r0 = s * RPT
        pltpu.sync_copy(zeros_hbm.at[pl.ds(0, RPT)], acc_sh.at[pl.ds(r0, RPT)])
        plsc.subcore_barrier()
        base = wid * eper

        def body(gi, carry):
            pltpu.sync_copy(dst_hbm.at[pl.ds(base + gi * CHUNK, CHUNK)], idx_v)
            pltpu.sync_copy(ones_v, acc_sh.at[idx_v], add=True)
            return carry

        lax.fori_loop(0, chunks, body, 0)
        plsc.subcore_barrier()
        pltpu.sync_copy(acc_sh.at[pl.ds(r0, RPT)],
                        out_hbm.at[pl.ds(c * NP + r0, RPT)])

    return hist



def _make_scatter(ep):
    chunks = ep // (NW * CHUNK)
    eper = ep // NW

    @functools.partial(
        pl.kernel,
        mesh=_mesh(),
        out_type=jax.ShapeDtypeStruct((NC * NP, D), jnp.float32),
        scratch_types=[
            pltpu.VMEM((CHUNK,), jnp.int32),
            pltpu.VMEM((CHUNK,), jnp.int32),
            pltpu.VMEM((CHUNK, D), jnp.float32),
            pltpu.VMEM_SHARED((NP, D), jnp.float32),
            pltpu.SemaphoreType.DMA,
        ],
    )
    def scat(src_hbm, dst_hbm, g_hbm, zeros_hbm, out_hbm,
             si_v, di_v, rows_v, acc_sh, sem):
        c = lax.axis_index("c")
        s = lax.axis_index("s")
        wid = s * NC + c
        r0 = s * RPT
        pltpu.sync_copy(zeros_hbm, acc_sh.at[pl.ds(r0, RPT)])
        plsc.subcore_barrier()
        base = wid * eper

        def body(gi, carry):
            e0 = base + gi * CHUNK
            pltpu.sync_copy(src_hbm.at[pl.ds(e0, CHUNK)], si_v)
            pltpu.sync_copy(dst_hbm.at[pl.ds(e0, CHUNK)], di_v)
            pltpu.async_copy(g_hbm.at[si_v], rows_v, sem).wait()
            pltpu.sync_copy(rows_v, acc_sh.at[di_v], add=True)
            return carry

        lax.fori_loop(0, chunks, body, 0)
        plsc.subcore_barrier()
        pltpu.sync_copy(acc_sh.at[pl.ds(r0, RPT)],
                        out_hbm.at[pl.ds(c * NP + r0, RPT)])

    return scat



BLK = 1000


def _mm_body(x_ref, w_ref, h0_ref, h1_ref, g_ref, dinv_ref):
    deg = 1.0 + h0_ref[...] + h1_ref[...]
    dinv = lax.rsqrt(deg)
    h = jnp.dot(x_ref[...], w_ref[...], preferred_element_type=jnp.float32)
    g_ref[...] = h * dinv
    dinv_ref[...] = dinv


def _mm_call(x, W, h0, h1):
    grid = N_NODES // BLK
    return pl.pallas_call(
        _mm_body,
        grid=(grid,),
        in_specs=[
            pl.BlockSpec((BLK, D), lambda i: (i, 0)),
            pl.BlockSpec((D, D), lambda i: (0, 0)),
            pl.BlockSpec((BLK, 1), lambda i: (i, 0)),
            pl.BlockSpec((BLK, 1), lambda i: (i, 0)),
        ],
        out_specs=[
            pl.BlockSpec((BLK, D), lambda i: (i, 0)),
            pl.BlockSpec((BLK, 1), lambda i: (i, 0)),
        ],
        out_shape=[
            jax.ShapeDtypeStruct((N_NODES, D), jnp.float32),
            jax.ShapeDtypeStruct((N_NODES, 1), jnp.float32),
        ],
    )(x, W, h0, h1)



BLK4 = 640


def _ep_body(a0_ref, a1_ref, g_ref, dinv_ref, b_ref, o_ref):
    a = a0_ref[...] + a1_ref[...] + g_ref[...]
    o_ref[...] = jnp.maximum(a * dinv_ref[...] + b_ref[...], 0.0)


def _ep_call(acc, g, dinv, b2):
    grid = (N_NODES + BLK4 - 1) // BLK4
    return pl.pallas_call(
        _ep_body,
        grid=(grid,),
        in_specs=[
            pl.BlockSpec((BLK4, D), lambda i: (i, 0)),
            pl.BlockSpec((BLK4, D), lambda i: (i + NP // BLK4, 0)),
            pl.BlockSpec((BLK4, D), lambda i: (i, 0)),
            pl.BlockSpec((BLK4, 1), lambda i: (i, 0)),
            pl.BlockSpec((1, D), lambda i: (0, 0)),
        ],
        out_specs=pl.BlockSpec((BLK4, D), lambda i: (i, 0)),
        out_shape=jax.ShapeDtypeStruct((N_NODES, D), jnp.float32),
    )(acc, acc, g, dinv, b2)



def kernel(x, edge_index, W, b):
    src = edge_index[0]
    dst = edge_index[1]
    e = src.shape[0]
    ep = ((e + NW * CHUNK - 1) // (NW * CHUNK)) * (NW * CHUNK)
    pad = ep - e
    srcp = jnp.concatenate([src, jnp.zeros((pad,), jnp.int32)])
    dstp = jnp.concatenate([dst, jnp.full((pad,), N_NODES, jnp.int32)])

    zeros1 = jnp.zeros((RPT,), jnp.float32)
    zeros2 = jnp.zeros((RPT, D), jnp.float32)

    hist = _make_hist(ep)(dstp, zeros1)
    h0 = hist[:NP].reshape(NP, 1)[:N_NODES]
    h1 = hist[NP:].reshape(NP, 1)[:N_NODES]

    g, dinv = _mm_call(x, W, h0, h1)

    acc = _make_scatter(ep)(srcp, dstp, g, zeros2)

    b2 = b.reshape(1, D)
    return _ep_call(acc, g, dinv, b2)

# --- scband reference (transcript-rebuilt; emitter-appended) ---
"""Pipeline reference for scband-gcnlayer-31172872634923 (READ-ONLY COPY).

The authoritative reference and input builder live on the scoring server;
editing this copy changes nothing except your own understanding.
"""

import jax, jax.numpy as jnp
import numpy as np

N = 10000
E = 320000
D_IN = 128
D_OUT = 128


def setup_inputs(seed: int = 0) -> dict:
    key = jax.random.key(seed)
    k1, k2, k3, k4 = jax.random.split(key, 4)
    x = jax.random.normal(k1, (N, D_IN), dtype=jnp.float32)
    edge_index = jax.random.randint(k2, (2, E), 0, N, dtype=jnp.int32)
    # GCNConv linear weight (glorot) and bias (zeros at init; use small random for a non-trivial reference)
    scale = jnp.sqrt(2.0 / (D_IN + D_OUT))
    W = jax.random.normal(k3, (D_IN, D_OUT), dtype=jnp.float32) * scale
    b = jax.random.normal(k4, (D_OUT,), dtype=jnp.float32) * 0.01
    return {"x": x, "edge_index": edge_index, "W": W, "b": b}


def reference(x, edge_index, W, b):
    # GCNConv with add_self_loops=True, normalize=True (PyG defaults):
    #   out = D^{-1/2} (A + I) D^{-1/2} (X W) + b, then ReLU; dropout is identity at inference.
    src = edge_index[0]
    dst = edge_index[1]
    loop = jnp.arange(N, dtype=edge_index.dtype)
    src = jnp.concatenate([src, loop])
    dst = jnp.concatenate([dst, loop])
    # degree computed on destination nodes with edge weight 1.0 (incl. self loops => deg >= 1)
    deg = jnp.zeros((N,), dtype=x.dtype).at[dst].add(1.0)
    dinv = jax.lax.rsqrt(deg)
    norm = dinv[src] * dinv[dst]
    # linear transform first (PyG applies lin before propagate)
    h = x @ W
    # gather messages from source nodes, scale, scatter-add into destination nodes
    msg = h[src] * norm[:, None]
    out = jnp.zeros((N, D_OUT), dtype=x.dtype).at[dst].add(msg)
    out = out + b
    out = jax.nn.relu(out)
    # dropout(p=0.1) is identity in eval mode
    return out

if __name__ == "__main__":
    import jax
    _d = setup_inputs()
    print(jax.jit(kernel)(*tuple(_d.values())))

</pallas_src>

<mosaic_0001>
#map = affine_map<(d0, d1) -> (0)>
module attributes {stable_mosaic.version = 14 : i64} {
  func.func @hist(%arg0: i32, %arg1: i32, %arg2: memref<323584xi32, #tpu.memory_space<hbm>>, %arg3: memref<640xf32, #tpu.memory_space<hbm>>, %arg4: memref<20480xf32, #tpu.memory_space<hbm>>, %arg5: memref<128xi32, #tpu.memory_space<vmem>>, %arg6: memref<128xf32, #tpu.memory_space<vmem>>, %arg7: memref<10240xf32, #tpu.memory_space<vmem_shared>>) attributes {dimension_semantics = [#tpu.dimension_semantics<core_parallel>, #tpu.dimension_semantics<subcore_parallel>], iteration_bounds = array<i64: 2, 16>, scalar_prefetch = 0 : i64, scratch_operands = 3 : i64, tpu.core_type = #tpu.core_type<sc_vector_subcore>, window_params = [{transform_indices = #map}, {transform_indices = #map}, {transform_indices = #map}]} {
    %mul3A = arith.constant 2 : i32
    %mul3A_0 = arith.muli %arg1, %mul3A : i32
    %add3A = arith.addi %mul3A_0, %arg0 : i32
    %broadcast_in_dim3A = arith.constant 1.000000e+00 : f32
    %broadcast_in_dim3A_1 = vector.broadcast %broadcast_in_dim3A : f32 to vector<16xf32>
    %swap3A = arith.constant 0 : index
    %swap3A_2 = tpu.vector_load %arg6[%swap3A] {strides = array<i32>} : memref<128xf32, #tpu.memory_space<vmem>>, vector<16xf32>,
    %swap3A_3 = vector.shape_cast %swap3A_2 : vector<16xf32> to vector<16xf32>
    %swap3A_4 = vector.shape_cast %broadcast_in_dim3A_1 : vector<16xf32> to vector<16xf32>
    tpu.vector_store %arg6[%swap3A], %swap3A_4 {strides = array<i32>} : memref<128xf32, #tpu.memory_space<vmem>>, vector<16xf32>,
    %broadcast_in_dim3A_5 = arith.constant 1.000000e+00 : f32
    %broadcast_in_dim3A_6 = vector.broadcast %broadcast_in_dim3A_5 : f32 to vector<16xf32>
    %swap3A_7 = arith.constant 16 : index
    %swap3A_8 = tpu.vector_load %arg6[%swap3A_7] {strides = array<i32>} : memref<128xf32, #tpu.memory_space<vmem>>, vector<16xf32>,
    %swap3A_9 = vector.shape_cast %swap3A_8 : vector<16xf32> to vector<16xf32>
    %swap3A_10 = vector.shape_cast %broadcast_in_dim3A_6 : vector<16xf32> to vector<16xf32>
    tpu.vector_store %arg6[%swap3A_7], %swap3A_10 {strides = array<i32>} : memref<128xf32, #tpu.memory_space<vmem>>, vector<16xf32>,
    %broadcast_in_dim3A_11 = arith.constant 1.000000e+00 : f32
    %broadcast_in_dim3A_12 = vector.broadcast %broadcast_in_dim3A_11 : f32 to vector<16xf32>
    %swap3A_13 = arith.constant 32 : index
    %swap3A_14 = tpu.vector_load %arg6[%swap3A_13] {strides = array<i32>} : memref<128xf32, #tpu.memory_space<vmem>>, vector<16xf32>,
    %swap3A_15 = vector.shape_cast %swap3A_14 : vector<16xf32> to vector<16xf32>
    %swap3A_16 = vector.shape_cast %broadcast_in_dim3A_12 : vector<16xf32> to vector<16xf32>
    tpu.vector_store %arg6[%swap3A_13], %swap3A_16 {strides = array<i32>} : memref<128xf32, #tpu.memory_space<vmem>>, vector<16xf32>,
    %broadcast_in_dim3A_17 = arith.constant 1.000000e+00 : f32
    %broadcast_in_dim3A_18 = vector.broadcast %broadcast_in_dim3A_17 : f32 to vector<16xf32>
    %swap3A_19 = arith.constant 48 : index
    %swap3A_20 = tpu.vector_load %arg6[%swap3A_19] {strides = array<i32>} : memref<128xf32, #tpu.memory_space<vmem>>, vector<16xf32>,
    %swap3A_21 = vector.shape_cast %swap3A_20 : vector<16xf32> to vector<16xf32>
    %swap3A_22 = vector.shape_cast %broadcast_in_dim3A_18 : vector<16xf32> to vector<16xf32>
    tpu.vector_store %arg6[%swap3A_19], %swap3A_22 {strides = array<i32>} : memref<128xf32, #tpu.memory_space<vmem>>, vector<16xf32>,
    %broadcast_in_dim3A_23 = arith.constant 1.000000e+00 : f32
    %broadcast_in_dim3A_24 = vector.broadcast %broadcast_in_dim3A_23 : f32 to vector<16xf32>
    %swap3A_25 = arith.constant 64 : index
    %swap3A_26 = tpu.vector_load %arg6[%swap3A_25] {strides = array<i32>} : memref<128xf32, #tpu.memory_space<vmem>>, vector<16xf32>,
    %swap3A_27 = vector.shape_cast %swap3A_26 : vector<16xf32> to vector<16xf32>
    %swap3A_28 = vector.shape_cast %broadcast_in_dim3A_24 : vector<16xf32> to vector<16xf32>
    tpu.vector_store %arg6[%swap3A_25], %swap3A_28 {strides = array<i32>} : memref<128xf32, #tpu.memory_space<vmem>>, vector<16xf32>,
    %broadcast_in_dim3A_29 = arith.constant 1.000000e+00 : f32
    %broadcast_in_dim3A_30 = vector.broadcast %broadcast_in_dim3A_29 : f32 to vector<16xf32>
    %swap3A_31 = arith.constant 80 : index
    %swap3A_32 = tpu.vector_load %arg6[%swap3A_31] {strides = array<i32>} : memref<128xf32, #tpu.memory_space<vmem>>, vector<16xf32>,
    %swap3A_33 = vector.shape_cast %swap3A_32 : vector<16xf32> to vector<16xf32>
    %swap3A_34 = vector.shape_cast %broadcast_in_dim3A_30 : vector<16xf32> to vector<16xf32>
    tpu.vector_store %arg6[%swap3A_31], %swap3A_34 {strides = array<i32>} : memref<128xf32, #tpu.memory_space<vmem>>, vector<16xf32>,
    %broadcast_in_dim3A_35 = arith.constant 1.000000e+00 : f32
    %broadcast_in_dim3A_36 = vector.broadcast %broadcast_in_dim3A_35 : f32 to vector<16xf32>
    %swap3A_37 = arith.constant 96 : index
    %swap3A_38 = tpu.vector_load %arg6[%swap3A_37] {strides = array<i32>} : memref<128xf32, #tpu.memory_space<vmem>>, vector<16xf32>,
    %swap3A_39 = vector.shape_cast %swap3A_38 : vector<16xf32> to vector<16xf32>
    %swap3A_40 = vector.shape_cast %broadcast_in_dim3A_36 : vector<16xf32> to vector<16xf32>
    tpu.vector_store %arg6[%swap3A_37], %swap3A_40 {strides = array<i32>} : memref<128xf32, #tpu.memory_space<vmem>>, vector<16xf32>,
    %broadcast_in_dim3A_41 = arith.constant 1.000000e+00 : f32
    %broadcast_in_dim3A_42 = vector.broadcast %broadcast_in_dim3A_41 : f32 to vector<16xf32>
    %swap3A_43 = arith.constant 112 : index
    %swap3A_44 = tpu.vector_load %arg6[%swap3A_43] {strides = array<i32>} : memref<128xf32, #tpu.memory_space<vmem>>, vector<16xf32>,
    %swap3A_45 = vector.shape_cast %swap3A_44 : vector<16xf32> to vector<16xf32>
    %swap3A_46 = vector.shape_cast %broadcast_in_dim3A_42 : vector<16xf32> to vector<16xf32>
    tpu.vector_store %arg6[%swap3A_43], %swap3A_46 {strides = array<i32>} : memref<128xf32, #tpu.memory_space<vmem>>, vector<16xf32>,
    %mul3A_47 = arith.constant 640 : i32
    %mul3A_48 = arith.muli %arg1, %mul3A_47 : i32
    "tpu.region"() ({
      %run_scoped3A = tpu.sem_alloc : memref<!tpu.dma_semaphore, #tpu.memory_space<semaphore_mem>>
      %dma_start3A = tpu.memref_slice %arg7[%mul3A_48] : memref<10240xf32, #tpu.memory_space<vmem_shared>> -> memref<640xf32, #tpu.memory_space<vmem_shared>>
      %dma_start3A_60 = arith.constant 0 : i32
      %dma_start3A_61 = tpu.memref_slice %arg3[%dma_start3A_60] : memref<640xf32, #tpu.memory_space<hbm>> -> memref<640xf32, #tpu.memory_space<hbm>>
      tpu.enqueue_dma source(%dma_start3A_61 : memref<640xf32, #tpu.memory_space<hbm>>) target(%dma_start3A : memref<640xf32, #tpu.memory_space<vmem_shared>>) target_semaphore(%run_scoped3A : memref<!tpu.dma_semaphore, #tpu.memory_space<semaphore_mem>>)
      %dma_wait3A = tpu.memref_slice %arg7[%mul3A_48] : memref<10240xf32, #tpu.memory_space<vmem_shared>> -> memref<640xf32, #tpu.memory_space<vmem_shared>>
      %dma_wait3A_62 = arith.constant 0 : i32
      %dma_wait3A_63 = tpu.memref_slice %arg3[%dma_wait3A_62] : memref<640xf32, #tpu.memory_space<hbm>> -> memref<640xf32, #tpu.memory_space<hbm>>
      tpu.wait_dma2 semaphore(%run_scoped3A : memref<!tpu.dma_semaphore, #tpu.memory_space<semaphore_mem>>) src(%dma_wait3A_63 : memref<640xf32, #tpu.memory_space<hbm>>) dst(%dma_wait3A : memref<640xf32, #tpu.memory_space<vmem_shared>>)
      tpu.yield
    }) : () -> ()
    %barrier3A = arith.constant 0 : index
    tpu.barrier barrier_id(%barrier3A)
    %mul3A_49 = arith.constant 10112 : i32
    %mul3A_50 = arith.muli %add3A, %mul3A_49 : i32
    %scan3A = arith.constant 0 : i32
    %scan3A_51 = arith.constant 0 : i32
    %scan3A_52 = arith.constant 79 : i32
    %scan3A_53 = arith.addi %scan3A_51, %scan3A_52 : i32
    %scan3A_54 = arith.constant 1 : i32
    scf.for %scan3A_60 = %scan3A_51 to %scan3A_53 step %scan3A_54  : i32 {
      %mul3A_61 = arith.constant 128 : i32
      %mul3A_62 = arith.muli %scan3A_60, %mul3A_61 : i32
      %add3A_63 = arith.addi %mul3A_50, %mul3A_62 : i32
      "tpu.region"() ({
        %run_scoped3A = tpu.sem_alloc : memref<!tpu.dma_semaphore, #tpu.memory_space<semaphore_mem>>
        %dma_start3A = tpu.memref_slice %arg2[%add3A_63] : memref<323584xi32, #tpu.memory_space<hbm>> -> memref<128xi32, #tpu.memory_space<hbm>>
        %dma_start3A_64 = tpu.memref_slice %arg2[%add3A_63] : memref<323584xi32, #tpu.memory_space<hbm>> -> memref<128xi32, #tpu.memory_space<hbm>>
        tpu.enqueue_dma source(%dma_start3A_64 : memref<128xi32, #tpu.memory_space<hbm>>) target(%arg5 : memref<128xi32, #tpu.memory_space<vmem>>) target_semaphore(%run_scoped3A : memref<!tpu.dma_semaphore, #tpu.memory_space<semaphore_mem>>)
        %dma_wait3A = tpu.memref_slice %arg2[%add3A_63] : memref<323584xi32, #tpu.memory_space<hbm>> -> memref<128xi32, #tpu.memory_space<hbm>>
        %dma_wait3A_65 = tpu.memref_slice %arg2[%add3A_63] : memref<323584xi32, #tpu.memory_space<hbm>> -> memref<128xi32, #tpu.memory_space<hbm>>
        tpu.wait_dma2 semaphore(%run_scoped3A : memref<!tpu.dma_semaphore, #tpu.memory_space<semaphore_mem>>) src(%dma_wait3A_65 : memref<128xi32, #tpu.memory_space<hbm>>) dst(%arg5 : memref<128xi32, #tpu.memory_space<vmem>>)
        tpu.yield
      }) : () -> ()
      "tpu.region"() ({
        %run_scoped3A = tpu.sem_alloc : memref<!tpu.dma_semaphore, #tpu.memory_space<semaphore_mem>>
        %dma_start3A = arith.constant 0 : i32
        %dma_start3A_64 = tpu.memref_slice %arg7[%dma_start3A] : memref<10240xf32, #tpu.memory_space<vmem_shared>> -> memref<10240xf32, #tpu.memory_space<vmem_shared>>
        tpu.enqueue_indirect_dma source(%arg6 : memref<128xf32, #tpu.memory_space<vmem>>) target(%dma_start3A_64 : memref<10240xf32, #tpu.memory_space<vmem_shared>>) offsets(%arg5 : memref<128xi32, #tpu.memory_space<vmem>>) semaphore(%run_scoped3A : memref<!tpu.dma_semaphore, #tpu.memory_space<semaphore_mem>>) {add = true}
        %dma_wait3A = arith.constant 0 : i32
        %dma_wait3A_65 = tpu.memref_slice %arg7[%dma_wait3A] : memref<10240xf32, #tpu.memory_space<vmem_shared>> -> memref<10240xf32, #tpu.memory_space<vmem_shared>>
        tpu.wait_indirect_dma semaphore(%run_scoped3A : memref<!tpu.dma_semaphore, #tpu.memory_space<semaphore_mem>>) src(%arg6 : memref<128xf32, #tpu.memory_space<vmem>>) dst(%dma_wait3A_65 : memref<10240xf32, #tpu.memory_space<vmem_shared>>)
        tpu.yield
      }) : () -> ()
    }
    %scan3A_55 = arith.constant 79 : i32
    %barrier3A_56 = arith.constant 0 : index
    tpu.barrier barrier_id(%barrier3A_56)
    %mul3A_57 = arith.constant 10240 : i32
    %mul3A_58 = arith.muli %arg0, %mul3A_57 : i32
    %add3A_59 = arith.addi %mul3A_58, %mul3A_48 : i32
    "tpu.region"() ({
      %run_scoped3A = tpu.sem_alloc : memref<!tpu.dma_semaphore, #tpu.memory_space<semaphore_mem>>
      %dma_start3A = tpu.memref_slice %arg4[%add3A_59] : memref<20480xf32, #tpu.memory_space<hbm>> -> memref<640xf32, #tpu.memory_space<hbm>>
      %dma_start3A_60 = tpu.memref_slice %arg7[%mul3A_48] : memref<10240xf32, #tpu.memory_space<vmem_shared>> -> memref<640xf32, #tpu.memory_space<vmem_shared>>
      tpu.enqueue_dma source(%dma_start3A_60 : memref<640xf32, #tpu.memory_space<vmem_shared>>) target(%dma_start3A : memref<640xf32, #tpu.memory_space<hbm>>) target_semaphore(%run_scoped3A : memref<!tpu.dma_semaphore, #tpu.memory_space<semaphore_mem>>)
      %dma_wait3A = tpu.memref_slice %arg4[%add3A_59] : memref<20480xf32, #tpu.memory_space<hbm>> -> memref<640xf32, #tpu.memory_space<hbm>>
      %dma_wait3A_61 = tpu.memref_slice %arg7[%mul3A_48] : memref<10240xf32, #tpu.memory_space<vmem_shared>> -> memref<640xf32, #tpu.memory_space<vmem_shared>>
      tpu.wait_dma2 semaphore(%run_scoped3A : memref<!tpu.dma_semaphore, #tpu.memory_space<semaphore_mem>>) src(%dma_wait3A_61 : memref<640xf32, #tpu.memory_space<vmem_shared>>) dst(%dma_wait3A : memref<640xf32, #tpu.memory_space<hbm>>)
      tpu.yield
    }) : () -> ()
    return
  }
}

#map = affine_map<(d0, d1) -> (0)>
#map1 = affine_map<(d0, d1) -> (0, 0)>
module attributes {stable_mosaic.version = 14 : i64} {
  func.func @scat(%arg0: i32, %arg1: i32, %arg2: memref<323584xi32, #tpu.memory_space<hbm>>, %arg3: memref<323584xi32, #tpu.memory_space<hbm>>, %arg4: memref<10000x128xf32, #tpu.memory_space<hbm>>, %arg5: memref<640x128xf32, #tpu.memory_space<hbm>>, %arg6: memref<20480x128xf32, #tpu.memory_space<hbm>>, %arg7: memref<128xi32, #tpu.memory_space<vmem>>, %arg8: memref<128xi32, #tpu.memory_space<vmem>>, %arg9: memref<128x128xf32, #tpu.memory_space<vmem>>, %arg10: memref<10240x128xf32, #tpu.memory_space<vmem_shared>>, %arg11: memref<!tpu.dma_semaphore, #tpu.memory_space<semaphore_mem>>) attributes {dimension_semantics = [#tpu.dimension_semantics<core_parallel>, #tpu.dimension_semantics<subcore_parallel>], iteration_bounds = array<i64: 2, 16>, scalar_prefetch = 0 : i64, scratch_operands = 5 : i64, tpu.core_type = #tpu.core_type<sc_vector_subcore>, window_params = [{transform_indices = #map}, {transform_indices = #map}, {transform_indices = #map1}, {transform_indices = #map1}, {transform_indices = #map1}]} {
    %mul3A = arith.constant 2 : i32
    %mul3A_0 = arith.muli %arg1, %mul3A : i32
    %add3A = arith.addi %mul3A_0, %arg0 : i32
    %mul3A_1 = arith.constant 640 : i32
    %mul3A_2 = arith.muli %arg1, %mul3A_1 : i32
    "tpu.region"() ({
      %run_scoped3A = tpu.sem_alloc : memref<!tpu.dma_semaphore, #tpu.memory_space<semaphore_mem>>
      %dma_start3A = arith.constant 0 : i32
      %dma_start3A_14 = tpu.memref_slice %arg10[%mul3A_2, %dma_start3A] : memref<10240x128xf32, #tpu.memory_space<vmem_shared>> -> memref<640x128xf32, #tpu.memory_space<vmem_shared>>
      tpu.enqueue_dma source(%arg5 : memref<640x128xf32, #tpu.memory_space<hbm>>) target(%dma_start3A_14 : memref<640x128xf32, #tpu.memory_space<vmem_shared>>) target_semaphore(%run_scoped3A : memref<!tpu.dma_semaphore, #tpu.memory_space<semaphore_mem>>)
      %dma_wait3A = arith.constant 0 : i32
      %dma_wait3A_15 = tpu.memref_slice %arg10[%mul3A_2, %dma_wait3A] : memref<10240x128xf32, #tpu.memory_space<vmem_shared>> -> memref<640x128xf32, #tpu.memory_space<vmem_shared>>
      tpu.wait_dma2 semaphore(%run_scoped3A : memref<!tpu.dma_semaphore, #tpu.memory_space<semaphore_mem>>) src(%arg5 : memref<640x128xf32, #tpu.memory_space<hbm>>) dst(%dma_wait3A_15 : memref<640x128xf32, #tpu.memory_space<vmem_shared>>)
      tpu.yield
    }) : () -> ()
    %barrier3A = arith.constant 0 : index
    tpu.barrier barrier_id(%barrier3A)
    %mul3A_3 = arith.constant 10112 : i32
    %mul3A_4 = arith.muli %add3A, %mul3A_3 : i32
    %scan3A = arith.constant 0 : i32
    %scan3A_5 = arith.constant 0 : i32
    %scan3A_6 = arith.constant 79 : i32
    %scan3A_7 = arith.addi %scan3A_5, %scan3A_6 : i32
    %scan3A_8 = arith.constant 1 : i32
    scf.for %scan3A_14 = %scan3A_5 to %scan3A_7 step %scan3A_8  : i32 {
      %mul3A_15 = arith.constant 128 : i32
      %mul3A_16 = arith.muli %scan3A_14, %mul3A_15 : i32
      %add3A_17 = arith.addi %mul3A_4, %mul3A_16 : i32
      "tpu.region"() ({
        %run_scoped3A = tpu.sem_alloc : memref<!tpu.dma_semaphore, #tpu.memory_space<semaphore_mem>>
        %dma_start3A_22 = tpu.memref_slice %arg2[%add3A_17] : memref<323584xi32, #tpu.memory_space<hbm>> -> memref<128xi32, #tpu.memory_space<hbm>>
        %dma_start3A_23 = tpu.memref_slice %arg2[%add3A_17] : memref<323584xi32, #tpu.memory_space<hbm>> -> memref<128xi32, #tpu.memory_space<hbm>>
        tpu.enqueue_dma source(%dma_start3A_23 : memref<128xi32, #tpu.memory_space<hbm>>) target(%arg7 : memref<128xi32, #tpu.memory_space<vmem>>) target_semaphore(%run_scoped3A : memref<!tpu.dma_semaphore, #tpu.memory_space<semaphore_mem>>)
        %dma_wait3A_24 = tpu.memref_slice %arg2[%add3A_17] : memref<323584xi32, #tpu.memory_space<hbm>> -> memref<128xi32, #tpu.memory_space<hbm>>
        %dma_wait3A_25 = tpu.memref_slice %arg2[%add3A_17] : memref<323584xi32, #tpu.memory_space<hbm>> -> memref<128xi32, #tpu.memory_space<hbm>>
        tpu.wait_dma2 semaphore(%run_scoped3A : memref<!tpu.dma_semaphore, #tpu.memory_space<semaphore_mem>>) src(%dma_wait3A_25 : memref<128xi32, #tpu.memory_space<hbm>>) dst(%arg7 : memref<128xi32, #tpu.memory_space<vmem>>)
        tpu.yield
      }) : () -> ()
      "tpu.region"() ({
        %run_scoped3A = tpu.sem_alloc : memref<!tpu.dma_semaphore, #tpu.memory_space<semaphore_mem>>
        %dma_start3A_22 = tpu.memref_slice %arg3[%add3A_17] : memref<323584xi32, #tpu.memory_space<hbm>> -> memref<128xi32, #tpu.memory_space<hbm>>
        %dma_start3A_23 = tpu.memref_slice %arg3[%add3A_17] : memref<323584xi32, #tpu.memory_space<hbm>> -> memref<128xi32, #tpu.memory_space<hbm>>
        tpu.enqueue_dma source(%dma_start3A_23 : memref<128xi32, #tpu.memory_space<hbm>>) target(%arg8 : memref<128xi32, #tpu.memory_space<vmem>>) target_semaphore(%run_scoped3A : memref<!tpu.dma_semaphore, #tpu.memory_space<semaphore_mem>>)
        %dma_wait3A_24 = tpu.memref_slice %arg3[%add3A_17] : memref<323584xi32, #tpu.memory_space<hbm>> -> memref<128xi32, #tpu.memory_space<hbm>>
        %dma_wait3A_25 = tpu.memref_slice %arg3[%add3A_17] : memref<323584xi32, #tpu.memory_space<hbm>> -> memref<128xi32, #tpu.memory_space<hbm>>
        tpu.wait_dma2 semaphore(%run_scoped3A : memref<!tpu.dma_semaphore, #tpu.memory_space<semaphore_mem>>) src(%dma_wait3A_25 : memref<128xi32, #tpu.memory_space<hbm>>) dst(%arg8 : memref<128xi32, #tpu.memory_space<vmem>>)
        tpu.yield
      }) : () -> ()
      %dma_start3A = arith.constant 0 : i32
      %dma_start3A_18 = arith.constant 0 : i32
      %dma_start3A_19 = tpu.memref_slice %arg4[%dma_start3A, %dma_start3A_18] : memref<10000x128xf32, #tpu.memory_space<hbm>> -> memref<10000x128xf32, #tpu.memory_space<hbm>>
      tpu.enqueue_indirect_dma source(%dma_start3A_19 : memref<10000x128xf32, #tpu.memory_space<hbm>>) target(%arg9 : memref<128x128xf32, #tpu.memory_space<vmem>>) offsets(%arg7 : memref<128xi32, #tpu.memory_space<vmem>>) semaphore(%arg11 : memref<!tpu.dma_semaphore, #tpu.memory_space<semaphore_mem>>)
      %dma_wait3A = arith.constant 0 : i32
      %dma_wait3A_20 = arith.constant 0 : i32
      %dma_wait3A_21 = tpu.memref_slice %arg4[%dma_wait3A, %dma_wait3A_20] : memref<10000x128xf32, #tpu.memory_space<hbm>> -> memref<10000x128xf32, #tpu.memory_space<hbm>>
      tpu.wait_indirect_dma semaphore(%arg11 : memref<!tpu.dma_semaphore, #tpu.memory_space<semaphore_mem>>) src(%dma_wait3A_21 : memref<10000x128xf32, #tpu.memory_space<hbm>>) dst(%arg9 : memref<128x128xf32, #tpu.memory_space<vmem>>)
      "tpu.region"() ({
        %run_scoped3A = tpu.sem_alloc : memref<!tpu.dma_semaphore, #tpu.memory_space<semaphore_mem>>
        %dma_start3A_22 = arith.constant 0 : i32
        %dma_start3A_23 = arith.constant 0 : i32
        %dma_start3A_24 = tpu.memref_slice %arg10[%dma_start3A_22, %dma_start3A_23] : memref<10240x128xf32, #tpu.memory_space<vmem_shared>> -> memref<10240x128xf32, #tpu.memory_space<vmem_shared>>
        tpu.enqueue_indirect_dma source(%arg9 : memref<128x128xf32, #tpu.memory_space<vmem>>) target(%dma_start3A_24 : memref<10240x128xf32, #tpu.memory_space<vmem_shared>>) offsets(%arg8 : memref<128xi32, #tpu.memory_space<vmem>>) semaphore(%run_scoped3A : memref<!tpu.dma_semaphore, #tpu.memory_space<semaphore_mem>>) {add = true}
        %dma_wait3A_25 = arith.constant 0 : i32
        %dma_wait3A_26 = arith.constant 0 : i32
        %dma_wait3A_27 = tpu.memref_slice %arg10[%dma_wait3A_25, %dma_wait3A_26] : memref<10240x128xf32, #tpu.memory_space<vmem_shared>> -> memref<10240x128xf32, #tpu.memory_space<vmem_shared>>
        tpu.wait_indirect_dma semaphore(%run_scoped3A : memref<!tpu.dma_semaphore, #tpu.memory_space<semaphore_mem>>) src(%arg9 : memref<128x128xf32, #tpu.memory_space<vmem>>) dst(%dma_wait3A_27 : memref<10240x128xf32, #tpu.memory_space<vmem_shared>>)
        tpu.yield
      }) : () -> ()
    }
    %scan3A_9 = arith.constant 79 : i32
    %barrier3A_10 = arith.constant 0 : index
    tpu.barrier barrier_id(%barrier3A_10)
    %mul3A_11 = arith.constant 10240 : i32
    %mul3A_12 = arith.muli %arg0, %mul3A_11 : i32
    %add3A_13 = arith.addi %mul3A_12, %mul3A_2 : i32
    "tpu.region"() ({
      %run_scoped3A = tpu.sem_alloc : memref<!tpu.dma_semaphore, #tpu.memory_space<semaphore_mem>>
      %dma_start3A = arith.constant 0 : i32
      %dma_start3A_14 = tpu.memref_slice %arg6[%add3A_13, %dma_start3A] : memref<20480x128xf32, #tpu.memory_space<hbm>> -> memref<640x128xf32, #tpu.memory_space<hbm>>
      %dma_start3A_15 = arith.constant 0 : i32
      %dma_start3A_16 = tpu.memref_slice %arg10[%mul3A_2, %dma_start3A_15] : memref<10240x128xf32, #tpu.memory_space<vmem_shared>> -> memref<640x128xf32, #tpu.memory_space<vmem_shared>>
      tpu.enqueue_dma source(%dma_start3A_16 : memref<640x128xf32, #tpu.memory_space<vmem_shared>>) target(%dma_start3A_14 : memref<640x128xf32, #tpu.memory_space<hbm>>) target_semaphore(%run_scoped3A : memref<!tpu.dma_semaphore, #tpu.memory_space<semaphore_mem>>)
      %dma_wait3A = arith.constant 0 : i32
      %dma_wait3A_17 = tpu.memref_slice %arg6[%add3A_13, %dma_wait3A] : memref<20480x128xf32, #tpu.memory_space<hbm>> -> memref<640x128xf32, #tpu.memory_space<hbm>>
      %dma_wait3A_18 = arith.constant 0 : i32
      %dma_wait3A_19 = tpu.memref_slice %arg10[%mul3A_2, %dma_wait3A_18] : memref<10240x128xf32, #tpu.memory_space<vmem_shared>> -> memref<640x128xf32, #tpu.memory_space<vmem_shared>>
      tpu.wait_dma2 semaphore(%run_scoped3A : memref<!tpu.dma_semaphore, #tpu.memory_space<semaphore_mem>>) src(%dma_wait3A_19 : memref<640x128xf32, #tpu.memory_space<vmem_shared>>) dst(%dma_wait3A_17 : memref<640x128xf32, #tpu.memory_space<hbm>>)
      tpu.yield
    }) : () -> ()
    return
  }
}

module attributes {stable_mosaic.version = 14 : i64} {
  func.func @_mm_body(%arg0: i32, %arg1: memref<1000x128xf32, #tpu.memory_space<vmem>>, %arg2: memref<128x128xf32, #tpu.memory_space<vmem>>, %arg3: memref<1000x1xf32, #tpu.memory_space<vmem>>, %arg4: memref<1000x1xf32, #tpu.memory_space<vmem>>, %arg5: memref<1000x128xf32, #tpu.memory_space<vmem>>, %arg6: memref<1000x1xf32, #tpu.memory_space<vmem>>) attributes {dimension_semantics = [#tpu.dimension_semantics<arbitrary>], iteration_bounds = array<i64: 10>, scalar_prefetch = 0 : i64, scratch_operands = 0 : i64, tpu.core_type = #tpu.core_type<tc>, window_params = [{transform_indices = @transform_0, window_bounds = array<i64: 1000, 128>}, {pipeline_mode = #tpu.pipeline_mode<synchronous>, transform_indices = @transform_1, window_bounds = array<i64: 128, 128>}, {transform_indices = @transform_2, window_bounds = array<i64: 1000, 1>}, {transform_indices = @transform_3, window_bounds = array<i64: 1000, 1>}, {transform_indices = @transform_4, window_bounds = array<i64: 1000, 128>}, {transform_indices = @transform_5, window_bounds = array<i64: 1000, 1>}]} {
    %get3A = arith.constant 0 : index
    %get3A_0 = arith.constant 0 : index
    %get3A_1 = vector.load %arg3[%get3A, %get3A_0] : memref<1000x1xf32, #tpu.memory_space<vmem>>, vector<1000x1xf32>
    %add3A = arith.constant 1.000000e+00 : f32
    %add3A_2 = vector.broadcast %add3A : f32 to vector<1000x1xf32>
    %add3A_3 = arith.addf %add3A_2, %get3A_1 : vector<1000x1xf32>
    %get3A_4 = arith.constant 0 : index
    %get3A_5 = arith.constant 0 : index
    %get3A_6 = vector.load %arg4[%get3A_4, %get3A_5] : memref<1000x1xf32, #tpu.memory_space<vmem>>, vector<1000x1xf32>
    %add3A_7 = arith.addf %add3A_3, %get3A_6 : vector<1000x1xf32>
    %rsqrt3A = math.rsqrt %add3A_7 : vector<1000x1xf32>
    %get3A_8 = arith.constant 0 : index
    %get3A_9 = arith.constant 0 : index
    %get3A_10 = vector.load %arg1[%get3A_8, %get3A_9] : memref<1000x128xf32, #tpu.memory_space<vmem>>, vector<1000x128xf32>
    %get3A_11 = arith.constant 0 : index
    %get3A_12 = arith.constant 0 : index
    %get3A_13 = vector.load %arg2[%get3A_11, %get3A_12] : memref<128x128xf32, #tpu.memory_space<vmem>>, vector<128x128xf32>
    %dot_general3A = arith.constant dense<0.000000e+00> : vector<1000x128xf32>
    %dot_general3A_14 = tpu.matmul %get3A_10, %get3A_13, %dot_general3A {dimension_numbers = #tpu.dot_dimension_numbers<[1], [0], [0], [1], [0, 0, 1, 1], [], []>, transpose_lhs_hint = false} : vector<1000x128xf32>, vector<128x128xf32>, vector<1000x128xf32> -> vector<1000x128xf32>
    %mul3A = vector.broadcast %rsqrt3A : vector<1000x1xf32> to vector<1000x128xf32>
    %mul3A_15 = arith.mulf %dot_general3A_14, %mul3A : vector<1000x128xf32>
    %swap3A = arith.constant 0 : index
    %swap3A_16 = arith.constant 0 : index
    %swap3A_17 = vector.load %arg5[%swap3A, %swap3A_16] : memref<1000x128xf32, #tpu.memory_space<vmem>>, vector<1000x128xf32>
    tpu.vector_store %arg5[%swap3A, %swap3A_16], %mul3A_15 {strides = array<i32>} : memref<1000x128xf32, #tpu.memory_space<vmem>>, vector<1000x128xf32>,
    %swap3A_18 = arith.constant 0 : index
    %swap3A_19 = arith.constant 0 : index
    %swap3A_20 = vector.load %arg6[%swap3A_18, %swap3A_19] : memref<1000x1xf32, #tpu.memory_space<vmem>>, vector<1000x1xf32>
    tpu.vector_store %arg6[%swap3A_18, %swap3A_19], %rsqrt3A {strides = array<i32>} : memref<1000x1xf32, #tpu.memory_space<vmem>>, vector<1000x1xf32>,
    return
  }
  func.func @transform_0(%arg0: i32) -> (i32, i32) {
    %c0_i32 = arith.constant 0 : i32
    %c0_i32_0 = arith.constant 0 : i32
    return %arg0, %c0_i32 : i32, i32
  }
  func.func @transform_1(%arg0: i32) -> (i32, i32) {
    %c0_i32 = arith.constant 0 : i32
    %c0_i32_0 = arith.constant 0 : i32
    %c0_i32_1 = arith.constant 0 : i32
    return %c0_i32, %c0_i32_0 : i32, i32
  }
  func.func @transform_2(%arg0: i32) -> (i32, i32) {
    %c0_i32 = arith.constant 0 : i32
    %c0_i32_0 = arith.constant 0 : i32
    return %arg0, %c0_i32 : i32, i32
  }
  func.func @transform_3(%arg0: i32) -> (i32, i32) {
    %c0_i32 = arith.constant 0 : i32
    %c0_i32_0 = arith.constant 0 : i32
    return %arg0, %c0_i32 : i32, i32
  }
  func.func @transform_4(%arg0: i32) -> (i32, i32) {
    %c0_i32 = arith.constant 0 : i32
    %c0_i32_0 = arith.constant 0 : i32
    return %arg0, %c0_i32 : i32, i32
  }
  func.func @transform_5(%arg0: i32) -> (i32, i32) {
    %c0_i32 = arith.constant 0 : i32
    %c0_i32_0 = arith.constant 0 : i32
    return %arg0, %c0_i32 : i32, i32
  }
}

module attributes {stable_mosaic.version = 14 : i64} {
  func.func @_ep_body(%arg0: i32, %arg1: memref<640x128xf32, #tpu.memory_space<vmem>>, %arg2: memref<640x128xf32, #tpu.memory_space<vmem>>, %arg3: memref<640x128xf32, #tpu.memory_space<vmem>>, %arg4: memref<640x1xf32, #tpu.memory_space<vmem>>, %arg5: memref<1x128xf32, #tpu.memory_space<vmem>>, %arg6: memref<640x128xf32, #tpu.memory_space<vmem>>) attributes {dimension_semantics = [#tpu.dimension_semantics<arbitrary>], iteration_bounds = array<i64: 16>, scalar_prefetch = 0 : i64, scratch_operands = 0 : i64, tpu.core_type = #tpu.core_type<tc>, window_params = [{transform_indices = @transform_0, window_bounds = array<i64: 640, 128>}, {transform_indices = @transform_1, window_bounds = array<i64: 640, 128>}, {transform_indices = @transform_2, window_bounds = array<i64: 640, 128>}, {transform_indices = @transform_3, window_bounds = array<i64: 640, 1>}, {pipeline_mode = #tpu.pipeline_mode<synchronous>, transform_indices = @transform_4, window_bounds = array<i64: 1, 128>}, {transform_indices = @transform_5, window_bounds = array<i64: 640, 128>}]} {
    %get3A = arith.constant 0 : index
    %get3A_0 = arith.constant 0 : index
    %get3A_1 = vector.load %arg1[%get3A, %get3A_0] : memref<640x128xf32, #tpu.memory_space<vmem>>, vector<640x128xf32>
    %get3A_2 = arith.constant 0 : index
    %get3A_3 = arith.constant 0 : index
    %get3A_4 = vector.load %arg2[%get3A_2, %get3A_3] : memref<640x128xf32, #tpu.memory_space<vmem>>, vector<640x128xf32>
    %add3A = arith.addf %get3A_1, %get3A_4 : vector<640x128xf32>
    %get3A_5 = arith.constant 0 : index
    %get3A_6 = arith.constant 0 : index
    %get3A_7 = vector.load %arg3[%get3A_5, %get3A_6] : memref<640x128xf32, #tpu.memory_space<vmem>>, vector<640x128xf32>
    %add3A_8 = arith.addf %add3A, %get3A_7 : vector<640x128xf32>
    %get3A_9 = arith.constant 0 : index
    %get3A_10 = arith.constant 0 : index
    %get3A_11 = vector.load %arg4[%get3A_9, %get3A_10] : memref<640x1xf32, #tpu.memory_space<vmem>>, vector<640x1xf32>
    %mul3A = vector.broadcast %get3A_11 : vector<640x1xf32> to vector<640x128xf32>
    %mul3A_12 = arith.mulf %add3A_8, %mul3A : vector<640x128xf32>
    %get3A_13 = arith.constant 0 : index
    %get3A_14 = arith.constant 0 : index
    %get3A_15 = vector.load %arg5[%get3A_13, %get3A_14] : memref<1x128xf32, #tpu.memory_space<vmem>>, vector<1x128xf32>
    %add3A_16 = vector.broadcast %get3A_15 : vector<1x128xf32> to vector<640x128xf32>
    %add3A_17 = arith.addf %mul3A_12, %add3A_16 : vector<640x128xf32>
    %max3A = arith.constant 0.000000e+00 : f32
    %max3A_18 = vector.broadcast %max3A : f32 to vector<640x128xf32>
    %max3A_19 = arith.maximumf %add3A_17, %max3A_18 : vector<640x128xf32>
    %swap3A = arith.constant 0 : index
    %swap3A_20 = arith.constant 0 : index
    %swap3A_21 = vector.load %arg6[%swap3A, %swap3A_20] : memref<640x128xf32, #tpu.memory_space<vmem>>, vector<640x128xf32>
    tpu.vector_store %arg6[%swap3A, %swap3A_20], %max3A_19 {strides = array<i32>} : memref<640x128xf32, #tpu.memory_space<vmem>>, vector<640x128xf32>,
    return
  }
  func.func @transform_0(%arg0: i32) -> (i32, i32) {
    %c0_i32 = arith.constant 0 : i32
    %c0_i32_0 = arith.constant 0 : i32
    return %arg0, %c0_i32 : i32, i32
  }
  func.func @transform_1(%arg0: i32) -> (i32, i32) {
    %add3A = arith.constant 16 : i32
    %add3A_0 = arith.addi %arg0, %add3A : i32
    %c0_i32 = arith.constant 0 : i32
    %c0_i32_1 = arith.constant 0 : i32
    return %add3A_0, %c0_i32 : i32, i32
  }
  func.func @transform_2(%arg0: i32) -> (i32, i32) {
    %c0_i32 = arith.constant 0 : i32
    %c0_i32_0 = arith.constant 0 : i32
    return %arg0, %c0_i32 : i32, i32
  }
  func.func @transform_3(%arg0: i32) -> (i32, i32) {
    %c0_i32 = arith.constant 0 : i32
    %c0_i32_0 = arith.constant 0 : i32
    return %arg0, %c0_i32 : i32, i32
  }
  func.func @transform_4(%arg0: i32) -> (i32, i32) {
    %c0_i32 = arith.constant 0 : i32
    %c0_i32_0 = arith.constant 0 : i32
    %c0_i32_1 = arith.constant 0 : i32
    return %c0_i32, %c0_i32_0 : i32, i32
  }
  func.func @transform_5(%arg0: i32) -> (i32, i32) {
    %c0_i32 = arith.constant 0 : i32
    %c0_i32_0 = arith.constant 0 : i32
    return %arg0, %c0_i32 : i32, i32
  }
}

</mosaic_0001>

<sc_bundles>
// kernel: kernel.6.cloned.1.call-start
scs
__scs_entry_jumppad:
0x0: {  	(pc) =	sbr.rel $0x88, $3  }
0x1: {  	(tag) =	ssettag $0x0;
	lr =	simm.s32 $0x1  }
0x2: {  	[smem:$0x3F9D] =	sst lr;
	_ =	strace $0xD0000000  }
0x3: {  	_ = 	snop  }
0x4: {  	_ = 	snop  }
0x5: {  	_ = 	snop  }
0x6: {  	_ = 	snop  }
0x7: {  	_ = 	snop  }
__scs_overlays_trampoline_lowered:
0x8: {  	[smem:$0x3FAC] =	sst s0  }
0x9: {  	[smem:$0x3FAD] =	sst s1  }
0xa: {  	[smem:$0x3FAE] =	sst s2  }
0xb: {  	[smem:$0x3FAF] =	sst s3  }
0xc: {  	[smem:$0x3FB0] =	sst s4  }
0xd: {  	[smem:$0x3FB1] =	sst s5  }
0xe: {  	[smem:$0x3FB2] =	sst s6  }
0xf: {  	[smem:$0x3FB3] =	sst s7  }
0x10: {  	[smem:$0x3FB4] =	sst s8  }
0x11: {  	[smem:$0x3FB5] =	sst s9;
	s0 =	simm.s32 @!p0 $0x0  }
0x12: {  	s1 =	sld [smem:$0x3F9B];
	s0 =	simm.s32 @p0 $0x1  }
0x13: {  	[smem:$0x3FB6] =	sst s0;
	s0 =	simm.s32 @!p1 $0x0  }
0x14: {  	s2 =	sld [smem:$0x3F9A];
	s0 =	simm.s32 @p1 $0x1  }
0x15: {  	[smem:$0x3FB7] =	sst s0;
	s0 =	simm.s32 @!p2 $0x0  }
0x16: {  	s3 =	sld [smem:$0x3FDB];
	s0 =	simm.s32 @p2 $0x1  }
0x17: {  	s4 =	simm.s32 $0x1BF5;
	[smem:$0x3FB9] =	sst s0  }
0x18: {  	s0 =	sld [smem:$0x3F9C];
	_ =	swait.ge [sflag:s4], $0x0  }
0x19: {  	s7 =	sld [smem:$0x3F9D]  }
0x1a: {  	s8 =	sadd.s32 $0xFFFFE003, lr  }
0x1b: {  	s9 =	sadd.s32 $0xFFFFFEF7, lr;
	s5 =	simm.s32 $0xFFFFFFFF;
	p2 =	slt.u32 s8, $0xFFFFF086  }
0x1c: {  	p1 =	slt.u32 s9, $0xF7A;
	s5 =	simm.s32 @!p2 $0x0  }
0x1d: {  	s5 =	simm.s32 @p1 $0x1;
	p0 =	seq.s32 s7, s2  }
0x1e: {  	s7 =	smul.u32 @!p0 $0xF7A, s2;
	p2 =	seq.s32 @!p0 s5, $0x0  }
0x1f: {  	s9 =	smul.u32 $0xF7A, s1;
	s8 =	simm.s32 @!p0 $0x1BF5;
	p2 =	por !p2, p0  }
0x20: {  	[sflag:s8] =	ssyncset.s32 @!p0 $0xFFFFF086;
	s6 =	sadd.s32 @!p0 s3, s7;
	s7 =	simm.s32 @!p0 $0x108  }
0x21: {  	s3 =	sadd.s32 s3, s9;
	s6 =	sadd.s32 @!p0 $0x88, s6;
	s7 =	simm.s32 @p2 $0x1082  }
0x22: {  	[simem:s7], [sflag:s8] =	dma.local @!p0 [hbm:s6], $0xF7A  }
0x23: {  	s9 =	sor.u32 $0xD0000000, s2;
	s6 =	simm.s32 $0x108;
	_ =	swait.ge @!p0 [sflag:s8], $0x0  }
0x24: {  	s3 =	sadd.s32 $0x88, s3;
	s6 =	simm.s32 @!p1 $0x1082;
	[sflag:s4] =	ssyncset.s32 $0xFFFFF086  }
0x25: {  	[simem:s6], [sflag:s4] =	dma.local [hbm:s3], $0xF7A  }
0x26: {  	[smem:$0x3F9D] =	sst s1;
	(tag) =	ssettag s2;
	_ =	strace s9  }
0x27: {  	s1 =	sld [smem:$0x3FAD]  }
0x28: {  	s2 =	sld [smem:$0x3FAE]  }
0x29: {  	s4 =	sld [smem:$0x3FB0]  }
0x2a: {  	p0 =	seq.s32 s5, $0x0;
	s5 =	sld [smem:$0x3FB1]  }
0x2b: {  	s6 =	sld [smem:$0x3FB2]  }
0x2c: {  	s7 =	sld [smem:$0x3FB3]  }
0x2d: {  	s3 =	simm.s32 $0x108;
	s8 =	sld [smem:$0x3FB4]  }
0x2e: {  	s3 =	simm.s32 @!p0 $0x1082;
	s9 =	sld [smem:$0x3FB5]  }
0x2f: {  	lr =	sadd.s32 s0, s3;
	s0 =	sld [smem:$0x3FAC]  }
0x30: {  	s3 =	sld [smem:$0x3FAF]  }
0x31: {  	[smem:$0x3FB8] =	sst s10  }
0x32: {  	s10 =	sld [smem:$0x3FB6];
	_ =	sdelay $0x3  }
0x33: {  	p0 =	seq.s32 s10, $0x1;
	s10 =	sld [smem:$0x3FB8];
	_ =	sdelay $0x3  }
0x34: {  	[smem:$0x3FB8] =	sst s10  }
0x35: {  	s10 =	sld [smem:$0x3FB7];
	_ =	sdelay $0x3  }
0x36: {  	p1 =	seq.s32 s10, $0x1;
	s10 =	sld [smem:$0x3FB8];
	_ =	sdelay $0x3  }
0x37: {  	[smem:$0x3FB8] =	sst s10  }
0x38: {  	s10 =	sld [smem:$0x3FB9]  }
0x39: {  	_ = 	snop;
	(pc) =	sbr.ind lr, $3  }
0x3a: {  	_ = 	snop  }
0x3b: {  	_ = 	snop  }
0x3c: {  	p2 =	seq.s32 s10, $0x1;
	s10 =	sld [smem:$0x3FB8]  }
0x3d: {  	_ =	shalt  }
0x3e: {  	_ =	shalt  }
0x3f: {  	_ =	shalt  }
0x40: {  	_ =	shalt  }
0x41: {  	_ =	shalt  }
0x42: {  	_ =	shalt  }
0x43: {  	_ =	shalt  }
0x44: {  	_ =	shalt  }
0x45: {  	_ =	shalt  }
0x46: {  	_ =	shalt  }
0x47: {  	_ =	shalt  }
0x48: {  	_ =	shalt  }
0x49: {  	_ =	shalt  }
0x4a: {  	_ =	shalt  }
0x4b: {  	_ =	shalt  }
0x4c: {  	_ =	shalt  }
0x4d: {  	_ =	shalt  }
0x4e: {  	_ =	shalt  }
0x4f: {  	_ =	shalt  }
0x50: {  	_ =	shalt  }
0x51: {  	_ =	shalt  }
0x52: {  	_ =	shalt  }
0x53: {  	_ =	shalt  }
0x54: {  	_ =	shalt  }
0x55: {  	_ =	shalt  }
0x56: {  	_ =	shalt  }
0x57: {  	_ =	shalt  }
0x58: {  	_ =	shalt  }
0x59: {  	_ =	shalt  }
0x5a: {  	_ =	shalt  }
0x5b: {  	_ =	shalt  }
0x5c: {  	_ =	shalt  }
0x5d: {  	_ =	shalt  }
0x5e: {  	_ =	shalt  }
0x5f: {  	_ =	shalt  }
0x60: {  	_ =	shalt  }
0x61: {  	_ =	shalt  }
0x62: {  	_ =	shalt  }
0x63: {  	_ =	shalt  }
0x64: {  	_ =	shalt  }
0x65: {  	_ =	shalt  }
0x66: {  	_ =	shalt  }
0x67: {  	_ =	shalt  }
0x68: {  	_ =	shalt  }
0x69: {  	_ =	shalt  }
0x6a: {  	_ =	shalt  }
0x6b: {  	_ =	shalt  }
0x6c: {  	_ =	shalt  }
0x6d: {  	_ =	shalt  }
0x6e: {  	_ =	shalt  }
0x6f: {  	_ =	shalt  }
0x70: {  	_ =	shalt  }
0x71: {  	_ =	shalt  }
0x72: {  	_ =	shalt  }
0x73: {  	_ =	shalt  }
0x74: {  	_ =	shalt  }
0x75: {  	_ =	shalt  }
0x76: {  	_ =	shalt  }
0x77: {  	_ =	shalt  }
0x78: {  	_ =	shalt  }
0x79: {  	_ =	shalt  }
0x7a: {  	_ =	shalt  }
0x7b: {  	_ =	shalt  }
0x7c: {  	_ =	shalt  }
0x7d: {  	_ =	shalt  }
0x7e: {  	_ =	shalt  }
0x7f: {  	_ =	shalt  }
0x80: {  	_ =	shalt  }
0x81: {  	_ =	shalt  }
0x82: {  	_ =	shalt  }
0x83: {  	_ =	shalt  }
0x84: {  	_ =	shalt  }
0x85: {  	_ =	shalt  }
0x86: {  	_ =	shalt  }
0x87: {  	_ =	shalt  }
.Lfunc_end0:
.L_simem_size_0:
called_computation_lowered:
.L_overlay_start_0:
0x88: {  	s2 =	sld [smem:$0x3FD9]  }
0x89: {  	s3 =	sld [smem:$0x3FFE];
	_ =	sdelay $0x1  }
0x8a: {  	s1 =	srdreg.scid  }
0x8b: {  	s0 =	sand.u32 $0x1, s1  }
0x8c: {  	s17 =	sshll.u32 s0, $0xA;
	s2 =	sadd.s32 s3, s2  }
0x8d: {  	s2 =	sadd.s32 s2, s17  }
0x8e: {  	[smem:$0x3FC4] =	sst s2  }
0x8f: {  	_ = 	snop  }
0x90: {  	s2 =	sld [smem:$0x3FD0];
	(tm) =	ssettm $0x1  }
0x91: {  	s18 =	sld [smem:$0x3FFB];
	_ =	sdelay $0x3  }
0x92: {  	_ =	strace s18  }
0x93: {  	s3 =	sld [smem:$0x3FFC];
	_ =	sdelay $0x3  }
0x94: {  	_ =	strace s3  }
0x95: {  	s3 =	sld [smem:$0x3FFD];
	_ =	sdelay $0x3  }
0x96: {  	_ =	strace s3  }
0x97: {  	_ =	strace $0x8FFFFFFF  }
0x98: {  	s19 =	sld [smem:$0x3FDB];
	_ =	sdelay $0x1  }
0x99: {  	s4 =	simm.s32 $_scs_section_size  }
0x9a: {  	s5 =	simm.s32 $_size__tile_overlayer_lowered;
	s6 =	simm.s32 $_tile_overlayer_lowered  }
0x9b: {  	s22 =	simm.s32 $0x1BFF;
	s21 =	sshll.u32 s6, $0x1;
	s3 =	sadd.s32 s4, s19  }
0x9c: {  	s7 =	simm.s32 $0x0;
	s20 =	sshll.u32 s5, $0x1;
	s5 =	sadd.s32 s21, s3  }
0x9d: {  	[timem:s7], [sflag:s22] =	dma.local [hbm:s5], s20  }
0x9e: {  	_ =	swait.ge [sflag:s22], s20  }
0x9f: {  	s4 =	ssub.s32 $0x0, s20;
	[sflag:s22] =	ssyncset.done $0x0  }
0xa0: {  	[sflag:s22] =	ssyncadd.s32 s4;
	_ =	sdelay $0x1  }
0xa1: {  	s23 =	simm.s32 $0x1B8B  }
0xa2: {  	_ =	swait.ge [sflag:s23], $0x1  }
0xa3: {  	[sflag:s23] =	ssyncset.done $0x0  }
0xa4: {  	s25 =	simm.s32 $0x1B8E;
	s24 =	sld [smem:$0x3FFE];
	[sflag:s23] =	ssyncadd.s32 $0xFFFFFFFF  }
0xa5: {  	s26 =	simm.s32 $execute0_lowered;
	[smem:$0x3FD2] =	sst s25  }
0xa6: {  	s5 =	sshll.u32 s26, $0x1;
	_ =	strace $0x80000046;
	[dreg:$0x1] =	wrdreg $0xFFFFFFFF  }
0xa7: {  	s28 =	simm.s32 $_size_execute0_lowered;
	s3 =	sadd.s32 s3, s5;
	[dreg:$0x0] =	wrdreg $0x0  }
0xa8: {  	s5 =	sshll.u32 s28, $0x1;
	[dreg:$0x2] =	wrdreg s3  }
0xa9: {  	[dreg:$0x3] =	wrdreg s5  }
0xaa: {  	[dreg:$0x4] =	wrdreg $0xC0  }
0xab: {  	_ =	task [dreg:s7], $0x5FFFF  }
0xac: {  	[dreg:$0x1] =	wrdreg $0xFFFFFFFF  }
0xad: {  	[dreg:$0x0] =	wrdreg $0x60  }
0xae: {  	[dreg:$0x2] =	wrdreg s24  }
0xaf: {  	[dreg:$0x3] =	wrdreg s2  }
0xb0: {  	[dreg:$0x4] =	wrdreg $0x1000  }
0xb1: {  	[dreg:$0x5] =	wrdreg $0x9  }
0xb2: {  	_ =	task.clear_ibuf [dreg:s7], $0x6FFFF;
	_ =	strace $0x90000046  }
0xb3: {  	s29 =	simm.s32 $0x9;
	_ =	strace $0x80000048  }
0xb4: {  	_ =	swait.ge [sflag:s29], $0x1  }
0xb5: {  	[sflag:s29] =	ssyncadd.s32 $0xFFFFFFFF  }
0xb6: {  	_ =	strace $0x90000048  }
0xb7: {  	_ =	sfence  }
0xb8: {  	s30 =	sld [smem:$0x0];
	_ =	sdelay $0x2  }
0xb9: {  	s31 =	sshll.u32 s1, $0xD;
	s1 =	sshrl.u32 s1, $0x2  }
0xba: {  	s3 =	sand.u32 $0x4000, s31;
	s1 =	sadd.s32 s1, s30  }
0xbb: {  	s0 =	sor.u32 s3, s0;
	s1 =	sshll.u32 s1, $0x11  }
0xbc: {  	s0 =	sor.u32 s1, s0  }
0xbd: {  	s0 =	sadd.s32 $0x8F2B, s0  }
0xbe: {  	[sflag:s0] =	ssyncadd.remote.s32 $0x1  }
0xbf: {  	_ =	sfence.sel $0xFFFF  }
0xc0: {  	[dreg:$0x0] =	wrdreg $0xFFFFFFFF;
	(pc) =	sbr.abs _section_cstart, $3  }
0xc1: {  	[dreg:$0x1] =	wrdreg $0xFFFFFFFF  }
0xc2: {  	_ =	task.clear_ibuf [dreg:s7], $0x2FFFF;
	_ =	strace $0x9FFFFFFF  }
0xc3: {  	(tm) =	ssettm $0x7FFFFFFF  }
tec
execute0_lowered:
.L_overlay_start_1:
0x0: {  	(tag) =	ssettag $0x1  }
0x1: {  	s4 =	rddreg [dreg:$0x0]  }
0x2: {  	s6 =	rddreg [dreg:$0x1]  }
0x3: {  	s2 =	rddreg [dreg:$0x2]  }
0x4: {  	s0 =	rddreg [dreg:$0x3];
	s1 =	stileid.u32  }
0x5: {  	s3 =	simm.s32 $0x0;
	s7 =	srdreg.scid;
	s5 =	smul.u32 $0x9E0, s1  }
0x6: {  	[smem:$0x7FF] =	sst s3;
	s7 =	sand.u32 $0x1, s7;
	s8 =	smul.u32 $0x280, s1  }
0x7: {  	s30 =	sshll.u32 s1, $0x6;
	_ =	strace $0x80000047;
	s10 =	smul.u32 $0x2800, s7  }
0x8: {  	s9 =	ssub.s32 $0x2, s7;
	s7 =	smul.u32 $0x4F0, s7;
	s11 =	sadd.s32 s5, s4  }
0x9: {  	s4 =	sadd.s32 $0xBA00, s4;
	s26 =	sshrl.u32 s9, $0x1;
	s29 =	sadd.s32 s8, s2  }
0xa: {  	s5 =	sor.u32 $0x1C01, s30;
	s9 =	ssub.s32 s9, s26;
	s28 =	sadd.s32 s8, s10  }
0xb: {  	s31 =	sadd.s32 s7, s11;
	s10 =	simm.s32 $0x1;
	s11 =	simm.s32 $0x80  }
0xc: {  	s12 =	sshrl.u32 s28, $0x3;
	s7 =	smax.u32 s9, $0x1;
	s8 =	sadd.s32 $0x1C00, s31  }
0xd: {  	v0 =	vimm.f32 $1.000000000e+00;
	s9 =	sshrl.u32 s29, $0x3;
	s6 =	sadd.s32 s6, s12;
	s12 =	simm.s32 $0x0  }
.LBB2_1:
0xe: {  	[tilespmem:$0x80] =	vst v0  }
0xf: {  	[tilespmem:$0x90] =	vst v0  }
0x10: {  	[tilespmem:$0xA0] =	vst v0  }
0x11: {  	[tilespmem:$0xB0] =	vst v0  }
0x12: {  	[tilespmem:$0xC0] =	vst v0  }
0x13: {  	[tilespmem:$0xD0] =	vst v0  }
0x14: {  	[tilespmem:$0xE0] =	vst v0  }
0x15: {  	[tilespmem:$0xF0] =	vst v0  }
0x16: {  	[spmem:s9], [sflag:s5] =	dma.local [hbm:s4], $0x50  }
0x17: {  	_ =	swait.ge [sflag:s10], $0x50  }
0x18: {  	[sflag:s10] =	ssyncset.done $0x0  }
0x19: {  	[sflag:s10] =	ssyncadd.s32 $0xFFFFFFB0  }
0x1a: {  	s13 =	sadd.s32 $0x0, s8;
	[bflag:$0x0] =	sbarrier.arrive $0xFFFF  }
0x1b: {  	[tilespmem:s3], [sflag:$0x1] =	stream.linear.gather [hbm4b:s13+s3], $0x80, $0x38;
	[tilespmem:$0x380] =	vst v63  }
0x1c: {  	_ =	swait.ge [sflag:s10], $0x80  }
0x1d: {  	[sflag:s10] =	ssyncset.done $0x0  }
0x1e: {  	[sflag:s10] =	ssyncadd.s32 $0xFFFFFF80  }
0x1f: {  	[spmem:s2] =	stream.indirect.scatter.add.f32 [tilespmem:s11], [sflag:$0x1], $0x1, s3, s11, $0xb8;
	[tilespmem:$0x380] =	vst v63  }
0x20: {  	_ =	swait.ge [sflag:s10], $0x80  }
0x21: {  	s14 =	simm.s32 $0x20;
	s13 =	simm.s32 $0x10;
	[sflag:s10] =	ssyncset.done $0x0  }
.LBB2_2:
0x22: {  	s15 =	sadd.s32 s13, s8  }
0x23: {  	[sflag:s10] =	ssyncadd.s32 $0xFFFFFF80;
	s13 =	smov.u32 s14;
	s16 =	sadd.s32 $0x10, s14  }
0x24: {  	[tilespmem:s3], [sflag:$0x1] =	stream.linear.gather [hbm4b:s15+s3], $0x80, $0x38;
	[tilespmem:$0x380] =	vst v63  }
0x25: {  	p0 =	sne.s32 s14, $0x4E0;
	_ =	swait.ge [sflag:s10], $0x80  }
.Ltmp0:
0x26: {  	[sflag:s10] =	ssyncset.done $0x0;
	(pc) =	sbr.rel @p0 .LBB2_2-.Ltmp0, $4  }
0x27: {  	[sflag:s10] =	ssyncadd.s32 $0xFFFFFF80  }
0x28: {  	[spmem:s2] =	stream.indirect.scatter.add.f32 [tilespmem:s11], [sflag:$0x1], $0x1, s3, s11, $0xb8;
	[tilespmem:$0x380] =	vst v63  }
0x29: {  	_ =	swait.ge [sflag:s10], $0x80  }
0x2a: {  	s14 =	smov.u32 s16;
	[sflag:s10] =	ssyncset.done $0x0  }
0x2b: {  	s13 =	sadd.s32 s13, s8;
	[sflag:s10] =	ssyncadd.s32 $0xFFFFFF80  }
0x2c: {  	[tilespmem:s3], [sflag:$0x1] =	stream.linear.gather [hbm4b:s13+s3], $0x80, $0x38;
	[tilespmem:$0x380] =	vst v63  }
0x2d: {  	_ =	swait.ge [sflag:s10], $0x80  }
0x2e: {  	[sflag:s10] =	ssyncset.done $0x0  }
0x2f: {  	[sflag:s10] =	ssyncadd.s32 $0xFFFFFF80  }
0x30: {  	[spmem:s2] =	stream.indirect.scatter.add.f32 [tilespmem:s11], [sflag:$0x1], $0x1, s3, s11, $0xb8;
	[tilespmem:$0x380] =	vst v63  }
0x31: {  	_ =	swait.ge [sflag:s10], $0x80  }
0x32: {  	s12 =	sadd.s32 $0x1, s12;
	[sflag:s10] =	ssyncset.done $0x0  }
0x33: {  	p0 =	sne.s32 s12, s7;
	[sflag:s10] =	ssyncadd.s32 $0xFFFFFF80  }
.Ltmp1:
0x34: {  	[bflag:$0x0] =	sbarrier.arrive $0xFFFF;
	(pc) =	sbr.rel @p0 .LBB2_1-.Ltmp1, $4  }
0x35: {  	[hbm:s6], [sflag:s5] =	dma.local [spmem:s9], $0x50  }
0x36: {  	_ =	swait.ge [sflag:s10], $0x50  }
0x37: {  	[sflag:s10] =	ssyncset.done $0x0  }
0x38: {  	[sflag:s10] =	ssyncadd.s32 $0xFFFFFFB0  }
0x39: {  	_ =	sfence.sel $0x180000  }
0x3a: {  	[bflag:$0x0] =	sbarrier.arrive $0xFFFF  }
0x3b: {  	p0 =	sne.s32 s1, $0x0;
	_ =	strace $0x90000047  }
0x3c: {  	s0 =	sadd.s32 @!p0 $0x100000, s0;
	[bflag:$0x2] =	sbarrier.arrive $0xFFFF  }
0x3d: {  	[sflag:s0] =	ssyncadd.tile.s32 @!p0 $0x1;
	_ =	shalt  }
.Lfunc_end2:
_tile_overlayer_lowered:
.L_overlay_start_2:
0x3e: {  	(tag) =	ssettag $0x2  }
0x3f: {  	s0 =	rddreg [dreg:$0x0];
	s2 =	stileid.u32  }
0x40: {  	s1 =	rddreg [dreg:$0x1];
	p0 =	sne.s32 s2, $0x0  }
0x41: {  	s3 =	rddreg [dreg:$0x2];
	[bflag:$0x3] =	sbarrier.arrive $0xFFFF;
	s2 =	simm.s32 @!p0 $0x1C01  }
0x42: {  	[timem:s3], [sflag:s2] =	dma.local @!p0 [hbm:s0], s1  }
0x43: {  	s0 =	simm.s32 @!p0 $0x1  }
0x44: {  	_ =	swait.ge @!p0 [sflag:s0], s1  }
0x45: {  	s1 =	ssub.s32 @!p0 $0x0, s1;
	[sflag:s0] =	ssyncset.done @!p0 $0x0  }
0x46: {  	[sflag:s0] =	ssyncadd.s32 @!p0 s1  }
0x47: {  	[bflag:$0x3] =	sbarrier.arrive $0xFFFF  }
0x48: {  	_ =	shalt  }

// kernel: kernel.9.cloned.1.call-start
scs
__scs_entry_jumppad:
0x0: {  	(pc) =	sbr.rel $0x88, $3  }
0x1: {  	(tag) =	ssettag $0x0;
	lr =	simm.s32 $0x1  }
0x2: {  	[smem:$0x3F9D] =	sst lr;
	_ =	strace $0xD0000000  }
0x3: {  	_ = 	snop  }
0x4: {  	_ = 	snop  }
0x5: {  	_ = 	snop  }
0x6: {  	_ = 	snop  }
0x7: {  	_ = 	snop  }
__scs_overlays_trampoline_lowered:
0x8: {  	[smem:$0x3FAC] =	sst s0  }
0x9: {  	[smem:$0x3FAD] =	sst s1  }
0xa: {  	[smem:$0x3FAE] =	sst s2  }
0xb: {  	[smem:$0x3FAF] =	sst s3  }
0xc: {  	[smem:$0x3FB0] =	sst s4  }
0xd: {  	[smem:$0x3FB1] =	sst s5  }
0xe: {  	[smem:$0x3FB2] =	sst s6  }
0xf: {  	[smem:$0x3FB3] =	sst s7  }
0x10: {  	[smem:$0x3FB4] =	sst s8  }
0x11: {  	[smem:$0x3FB5] =	sst s9;
	s0 =	simm.s32 @!p0 $0x0  }
0x12: {  	s1 =	sld [smem:$0x3F9B];
	s0 =	simm.s32 @p0 $0x1  }
0x13: {  	[smem:$0x3FB6] =	sst s0;
	s0 =	simm.s32 @!p1 $0x0  }
0x14: {  	s2 =	sld [smem:$0x3F9A];
	s0 =	simm.s32 @p1 $0x1  }
0x15: {  	[smem:$0x3FB7] =	sst s0;
	s0 =	simm.s32 @!p2 $0x0  }
0x16: {  	s3 =	sld [smem:$0x3FDB];
	s0 =	simm.s32 @p2 $0x1  }
0x17: {  	s4 =	simm.s32 $0x1BF5;
	[smem:$0x3FB9] =	sst s0  }
0x18: {  	s0 =	sld [smem:$0x3F9C];
	_ =	swait.ge [sflag:s4], $0x0  }
0x19: {  	s7 =	sld [smem:$0x3F9D]  }
0x1a: {  	s8 =	sadd.s32 $0xFFFFE003, lr  }
0x1b: {  	s9 =	sadd.s32 $0xFFFFFEF7, lr;
	s5 =	simm.s32 $0xFFFFFFFF;
	p2 =	slt.u32 s8, $0xFFFFF086  }
0x1c: {  	p1 =	slt.u32 s9, $0xF7A;
	s5 =	simm.s32 @!p2 $0x0  }
0x1d: {  	s5 =	simm.s32 @p1 $0x1;
	p0 =	seq.s32 s7, s2  }
0x1e: {  	s7 =	smul.u32 @!p0 $0xF7A, s2;
	p2 =	seq.s32 @!p0 s5, $0x0  }
0x1f: {  	s9 =	smul.u32 $0xF7A, s1;
	s8 =	simm.s32 @!p0 $0x1BF5;
	p2 =	por !p2, p0  }
0x20: {  	[sflag:s8] =	ssyncset.s32 @!p0 $0xFFFFF086;
	s6 =	sadd.s32 @!p0 s3, s7;
	s7 =	simm.s32 @!p0 $0x108  }
0x21: {  	s3 =	sadd.s32 s3, s9;
	s6 =	sadd.s32 @!p0 $0x88, s6;
	s7 =	simm.s32 @p2 $0x1082  }
0x22: {  	[simem:s7], [sflag:s8] =	dma.local @!p0 [hbm:s6], $0xF7A  }
0x23: {  	s9 =	sor.u32 $0xD0000000, s2;
	s6 =	simm.s32 $0x108;
	_ =	swait.ge @!p0 [sflag:s8], $0x0  }
0x24: {  	s3 =	sadd.s32 $0x88, s3;
	s6 =	simm.s32 @!p1 $0x1082;
	[sflag:s4] =	ssyncset.s32 $0xFFFFF086  }
0x25: {  	[simem:s6], [sflag:s4] =	dma.local [hbm:s3], $0xF7A  }
0x26: {  	[smem:$0x3F9D] =	sst s1;
	(tag) =	ssettag s2;
	_ =	strace s9  }
0x27: {  	s1 =	sld [smem:$0x3FAD]  }
0x28: {  	s2 =	sld [smem:$0x3FAE]  }
0x29: {  	s4 =	sld [smem:$0x3FB0]  }
0x2a: {  	p0 =	seq.s32 s5, $0x0;
	s5 =	sld [smem:$0x3FB1]  }
0x2b: {  	s6 =	sld [smem:$0x3FB2]  }
0x2c: {  	s7 =	sld [smem:$0x3FB3]  }
0x2d: {  	s3 =	simm.s32 $0x108;
	s8 =	sld [smem:$0x3FB4]  }
0x2e: {  	s3 =	simm.s32 @!p0 $0x1082;
	s9 =	sld [smem:$0x3FB5]  }
0x2f: {  	lr =	sadd.s32 s0, s3;
	s0 =	sld [smem:$0x3FAC]  }
0x30: {  	s3 =	sld [smem:$0x3FAF]  }
0x31: {  	[smem:$0x3FB8] =	sst s10  }
0x32: {  	s10 =	sld [smem:$0x3FB6];
	_ =	sdelay $0x3  }
0x33: {  	p0 =	seq.s32 s10, $0x1;
	s10 =	sld [smem:$0x3FB8];
	_ =	sdelay $0x3  }
0x34: {  	[smem:$0x3FB8] =	sst s10  }
0x35: {  	s10 =	sld [smem:$0x3FB7];
	_ =	sdelay $0x3  }
0x36: {  	p1 =	seq.s32 s10, $0x1;
	s10 =	sld [smem:$0x3FB8];
	_ =	sdelay $0x3  }
0x37: {  	[smem:$0x3FB8] =	sst s10  }
0x38: {  	s10 =	sld [smem:$0x3FB9]  }
0x39: {  	_ = 	snop;
	(pc) =	sbr.ind lr, $3  }
0x3a: {  	_ = 	snop  }
0x3b: {  	_ = 	snop  }
0x3c: {  	p2 =	seq.s32 s10, $0x1;
	s10 =	sld [smem:$0x3FB8]  }
0x3d: {  	_ =	shalt  }
0x3e: {  	_ =	shalt  }
0x3f: {  	_ =	shalt  }
0x40: {  	_ =	shalt  }
0x41: {  	_ =	shalt  }
0x42: {  	_ =	shalt  }
0x43: {  	_ =	shalt  }
0x44: {  	_ =	shalt  }
0x45: {  	_ =	shalt  }
0x46: {  	_ =	shalt  }
0x47: {  	_ =	shalt  }
0x48: {  	_ =	shalt  }
0x49: {  	_ =	shalt  }
0x4a: {  	_ =	shalt  }
0x4b: {  	_ =	shalt  }
0x4c: {  	_ =	shalt  }
0x4d: {  	_ =	shalt  }
0x4e: {  	_ =	shalt  }
0x4f: {  	_ =	shalt  }
0x50: {  	_ =	shalt  }
0x51: {  	_ =	shalt  }
0x52: {  	_ =	shalt  }
0x53: {  	_ =	shalt  }
0x54: {  	_ =	shalt  }
0x55: {  	_ =	shalt  }
0x56: {  	_ =	shalt  }
0x57: {  	_ =	shalt  }
0x58: {  	_ =	shalt  }
0x59: {  	_ =	shalt  }
0x5a: {  	_ =	shalt  }
0x5b: {  	_ =	shalt  }
0x5c: {  	_ =	shalt  }
0x5d: {  	_ =	shalt  }
0x5e: {  	_ =	shalt  }
0x5f: {  	_ =	shalt  }
0x60: {  	_ =	shalt  }
0x61: {  	_ =	shalt  }
0x62: {  	_ =	shalt  }
0x63: {  	_ =	shalt  }
0x64: {  	_ =	shalt  }
0x65: {  	_ =	shalt  }
0x66: {  	_ =	shalt  }
0x67: {  	_ =	shalt  }
0x68: {  	_ =	shalt  }
0x69: {  	_ =	shalt  }
0x6a: {  	_ =	shalt  }
0x6b: {  	_ =	shalt  }
0x6c: {  	_ =	shalt  }
0x6d: {  	_ =	shalt  }
0x6e: {  	_ =	shalt  }
0x6f: {  	_ =	shalt  }
0x70: {  	_ =	shalt  }
0x71: {  	_ =	shalt  }
0x72: {  	_ =	shalt  }
0x73: {  	_ =	shalt  }
0x74: {  	_ =	shalt  }
0x75: {  	_ =	shalt  }
0x76: {  	_ =	shalt  }
0x77: {  	_ =	shalt  }
0x78: {  	_ =	shalt  }
0x79: {  	_ =	shalt  }
0x7a: {  	_ =	shalt  }
0x7b: {  	_ =	shalt  }
0x7c: {  	_ =	shalt  }
0x7d: {  	_ =	shalt  }
0x7e: {  	_ =	shalt  }
0x7f: {  	_ =	shalt  }
0x80: {  	_ =	shalt  }
0x81: {  	_ =	shalt  }
0x82: {  	_ =	shalt  }
0x83: {  	_ =	shalt  }
0x84: {  	_ =	shalt  }
0x85: {  	_ =	shalt  }
0x86: {  	_ =	shalt  }
0x87: {  	_ =	shalt  }
.Lfunc_end0:
.L_simem_size_0:
called_computation.1_lowered:
.L_overlay_start_0:
0x88: {  	s2 =	sld [smem:$0x3FD9]  }
0x89: {  	s3 =	sld [smem:$0x3FFE];
	_ =	sdelay $0x1  }
0x8a: {  	s1 =	srdreg.scid  }
0x8b: {  	s0 =	sand.u32 $0x1, s1  }
0x8c: {  	s17 =	sshll.u32 s0, $0xA;
	s2 =	sadd.s32 s3, s2  }
0x8d: {  	s2 =	sadd.s32 s2, s17  }
0x8e: {  	[smem:$0x3FC4] =	sst s2  }
0x8f: {  	_ = 	snop  }
0x90: {  	s2 =	sld [smem:$0x3FD0];
	(tm) =	ssettm $0x1  }
0x91: {  	s18 =	sld [smem:$0x3FFB];
	_ =	sdelay $0x3  }
0x92: {  	_ =	strace s18  }
0x93: {  	s3 =	sld [smem:$0x3FFC];
	_ =	sdelay $0x3  }
0x94: {  	_ =	strace s3  }
0x95: {  	s3 =	sld [smem:$0x3FFD];
	_ =	sdelay $0x3  }
0x96: {  	_ =	strace s3  }
0x97: {  	_ =	strace $0x8FFFFFFF  }
0x98: {  	s19 =	sld [smem:$0x3FDB];
	_ =	sdelay $0x1  }
0x99: {  	s4 =	simm.s32 $_scs_section_size  }
0x9a: {  	s5 =	simm.s32 $_size__tile_overlayer_lowered;
	s6 =	simm.s32 $_tile_overlayer_lowered  }
0x9b: {  	s22 =	simm.s32 $0x1BFF;
	s21 =	sshll.u32 s6, $0x1;
	s3 =	sadd.s32 s4, s19  }
0x9c: {  	s7 =	simm.s32 $0x0;
	s20 =	sshll.u32 s5, $0x1;
	s5 =	sadd.s32 s21, s3  }
0x9d: {  	[timem:s7], [sflag:s22] =	dma.local [hbm:s5], s20  }
0x9e: {  	_ =	swait.ge [sflag:s22], s20  }
0x9f: {  	s4 =	ssub.s32 $0x0, s20;
	[sflag:s22] =	ssyncset.done $0x0  }
0xa0: {  	[sflag:s22] =	ssyncadd.s32 s4;
	_ =	sdelay $0x1  }
0xa1: {  	s23 =	simm.s32 $0x1B8B  }
0xa2: {  	_ =	swait.ge [sflag:s23], $0x1  }
0xa3: {  	[sflag:s23] =	ssyncset.done $0x0  }
0xa4: {  	s25 =	simm.s32 $0x1B8E;
	s24 =	sld [smem:$0x3FFE];
	[sflag:s23] =	ssyncadd.s32 $0xFFFFFFFF  }
0xa5: {  	s26 =	simm.s32 $execute0_lowered;
	[smem:$0x3FD2] =	sst s25  }
0xa6: {  	s5 =	sshll.u32 s26, $0x1;
	_ =	strace $0x80000049;
	[dreg:$0x1] =	wrdreg $0xFFFFFFFF  }
0xa7: {  	s28 =	simm.s32 $_size_execute0_lowered;
	s3 =	sadd.s32 s3, s5;
	[dreg:$0x0] =	wrdreg $0x0  }
0xa8: {  	s5 =	sshll.u32 s28, $0x1;
	[dreg:$0x2] =	wrdreg s3  }
0xa9: {  	[dreg:$0x3] =	wrdreg s5  }
0xaa: {  	[dreg:$0x4] =	wrdreg $0xC0  }
0xab: {  	_ =	task [dreg:s7], $0x5FFFF  }
0xac: {  	[dreg:$0x1] =	wrdreg $0xFFFFFFFF  }
0xad: {  	[dreg:$0x0] =	wrdreg $0x60  }
0xae: {  	[dreg:$0x2] =	wrdreg s24  }
0xaf: {  	[dreg:$0x3] =	wrdreg s2  }
0xb0: {  	[dreg:$0x4] =	wrdreg $0x41000  }
0xb1: {  	[dreg:$0x5] =	wrdreg $0x9  }
0xb2: {  	_ =	task.clear_ibuf [dreg:s7], $0x6FFFF;
	_ =	strace $0x90000049  }
0xb3: {  	s29 =	simm.s32 $0x9;
	_ =	strace $0x8000004B  }
0xb4: {  	_ =	swait.ge [sflag:s29], $0x1  }
0xb5: {  	[sflag:s29] =	ssyncadd.s32 $0xFFFFFFFF  }
0xb6: {  	_ =	strace $0x9000004B  }
0xb7: {  	_ =	sfence  }
0xb8: {  	s30 =	sld [smem:$0x0];
	_ =	sdelay $0x2  }
0xb9: {  	s31 =	sshll.u32 s1, $0xD;
	s1 =	sshrl.u32 s1, $0x2  }
0xba: {  	s3 =	sand.u32 $0x4000, s31;
	s1 =	sadd.s32 s1, s30  }
0xbb: {  	s0 =	sor.u32 s3, s0;
	s1 =	sshll.u32 s1, $0x11  }
0xbc: {  	s0 =	sor.u32 s1, s0  }
0xbd: {  	s0 =	sadd.s32 $0x8F2B, s0  }
0xbe: {  	[sflag:s0] =	ssyncadd.remote.s32 $0x1  }
0xbf: {  	_ =	sfence.sel $0xFFFF  }
0xc0: {  	[dreg:$0x0] =	wrdreg $0xFFFFFFFF;
	(pc) =	sbr.abs _section_cstart, $3  }
0xc1: {  	[dreg:$0x1] =	wrdreg $0xFFFFFFFF  }
0xc2: {  	_ =	task.clear_ibuf [dreg:s7], $0x2FFFF;
	_ =	strace $0x9FFFFFFF  }
0xc3: {  	(tm) =	ssettm $0x7FFFFFFF  }
tec
execute0_lowered:
.L_overlay_start_1:
0x0: {  	(tag) =	ssettag $0x1  }
0x1: {  	s6 =	rddreg [dreg:$0x0]  }
0x2: {  	s2 =	rddreg [dreg:$0x1]  }
0x3: {  	s3 =	rddreg [dreg:$0x2]  }
0x4: {  	s0 =	rddreg [dreg:$0x3]  }
0x5: {  	s1 =	stileid.u32;
	s7 =	srdreg.scid;
	s4 =	simm.s32 $0x0  }
0x6: {  	s14 =	simm.s32 $0x100;
	s15 =	simm.s32 $0x1;
	s5 =	smul.u32 $0x9E0, s1  }
0x7: {  	s16 =	simm.s32 $0x0;
	s7 =	sand.u32 $0x1, s7;
	s8 =	smul.u32 $0x2800, s1  }
0x8: {  	[smem:$0x7FF] =	sst s4;
	s29 =	smul.u32 $0x50000, s1;
	s31 =	sshll.u32 s1, $0x6  }
0x9: {  	s9 =	smul.u32 $0x28000, s7;
	_ =	strace $0x8000004A;
	s30 =	ssub.s32 $0x2, s7  }
0xa: {  	s12 =	smul.u32 $0x4F0, s7;
	s10 =	sadd.s32 s5, s6;
	s5 =	sadd.s32 $0x15A00, s6  }
0xb: {  	s11 =	sshrl.u32 s30, $0x1;
	s8 =	sadd.s32 s8, s9;
	s9 =	sshrl.u32 s29, $0x2  }
0xc: {  	s11 =	ssub.s32 s30, s11;
	s10 =	sadd.s32 s12, s10;
	s12 =	simm.s32 $0x2  }
0xd: {  	s8 =	sadd.s32 s8, s6;
	s13 =	sadd.s32 s9, s3;
	s6 =	sor.u32 $0x1C02, s31  }
0xe: {  	s9 =	sadd.s32 $0x1C00, s10;
	s10 =	sadd.s32 $0xBC00, s10;
	s7 =	sadd.s32 $0x18200, s8  }
0xf: {  	s8 =	smax.u32 s11, $0x1;
	s11 =	sshrl.u32 s13, $0x3;
	s13 =	simm.s32 $0x80  }
.LBB2_1:
0x10: {  	[spmem:s11], [sflag:s6] =	dma.local [hbm:s5], $0x2800  }
0x11: {  	_ =	swait.ge [sflag:s12], $0x2800  }
0x12: {  	[sflag:s12] =	ssyncset.done $0x0  }
0x13: {  	[sflag:s12] =	ssyncadd.s32 $0xFFFFD800  }
0x14: {  	s17 =	sadd.s32 $0x0, s10;
	[bflag:$0x0] =	sbarrier.arrive $0xFFFF  }
0x15: {  	[tilespmem:s4], [sflag:$0x2] =	stream.linear.gather [hbm4b:s17+s4], $0x80, $0x38;
	[tilespmem:$0x18100] =	vst v63  }
0x16: {  	_ =	swait.ge [sflag:s12], $0x80  }
0x17: {  	[sflag:s12] =	ssyncset.done $0x0  }
0x18: {  	s31 =	sadd.s32 $0x0, s9;
	[sflag:s12] =	ssyncadd.s32 $0xFFFFFF80  }
0x19: {  	[tilespmem:s13], [sflag:$0x2] =	stream.linear.gather [hbm4b:s31+s4], $0x80, $0x38;
	[tilespmem:$0x18100] =	vst v63  }
0x1a: {  	_ =	swait.ge [sflag:s12], $0x80  }
0x1b: {  	[sflag:s12] =	ssyncset.done $0x0  }
0x1c: {  	[sflag:s12] =	ssyncadd.s32 $0xFFFFFF80  }
0x1d: {  	[tilespmem:s14], [sflag:$0x1] =	stream.indirect.gather [hbm4b:s2+s13], $0x80, s4, s13, $0xb8;
	[tilespmem:$0x18100] =	vst v63  }
0x1e: {  	_ =	swait.ge [sflag:s15], $0x4000  }
0x1f: {  	[sflag:s15] =	ssyncset.done $0x0  }
0x20: {  	[sflag:s15] =	ssyncadd.s32 $0xFFFFC000  }
0x21: {  	[spmem:s3] =	stream.indirect.scatter.add.f32 [tilespmem:s14], [sflag:$0x2], $0x80, s13, s13, $0xb8;
	[tilespmem:$0x18100] =	vst v63  }
0x22: {  	_ =	swait.ge [sflag:s12], $0x4000  }
0x23: {  	s18 =	simm.s32 $0x20;
	s17 =	simm.s32 $0x10;
	[sflag:s12] =	ssyncset.done $0x0  }
.LBB2_2:
0x24: {  	s19 =	sadd.s32 s17, s10  }
0x25: {  	[sflag:s12] =	ssyncadd.s32 $0xFFFFC000;
	s20 =	smov.u32 s18;
	s21 =	sadd.s32 $0x10, s18  }
0x26: {  	[tilespmem:s4], [sflag:$0x2] =	stream.linear.gather [hbm4b:s19+s4], $0x80, $0x38;
	[tilespmem:$0x18100] =	vst v63  }
0x27: {  	p0 =	sne.s32 s18, $0x4E0;
	_ =	swait.ge [sflag:s12], $0x80  }
0x28: {  	[sflag:s12] =	ssyncset.done $0x0  }
0x29: {  	s18 =	sadd.s32 s17, s9;
	s17 =	smov.u32 s20;
	[sflag:s12] =	ssyncadd.s32 $0xFFFFFF80  }
0x2a: {  	[tilespmem:s13], [sflag:$0x2] =	stream.linear.gather [hbm4b:s18+s4], $0x80, $0x38;
	[tilespmem:$0x18100] =	vst v63  }
0x2b: {  	_ =	swait.ge [sflag:s12], $0x80  }
0x2c: {  	[sflag:s12] =	ssyncset.done $0x0  }
0x2d: {  	[sflag:s12] =	ssyncadd.s32 $0xFFFFFF80  }
0x2e: {  	[tilespmem:s14], [sflag:$0x1] =	stream.indirect.gather [hbm4b:s2+s13], $0x80, s4, s13, $0xb8;
	[tilespmem:$0x18100] =	vst v63  }
0x2f: {  	_ =	swait.ge [sflag:s15], $0x4000  }
.Ltmp0:
0x30: {  	[sflag:s15] =	ssyncset.done $0x0;
	(pc) =	sbr.rel @p0 .LBB2_2-.Ltmp0, $4  }
0x31: {  	[sflag:s15] =	ssyncadd.s32 $0xFFFFC000  }
0x32: {  	[spmem:s3] =	stream.indirect.scatter.add.f32 [tilespmem:s14], [sflag:$0x2], $0x80, s13, s13, $0xb8;
	[tilespmem:$0x18100] =	vst v63  }
0x33: {  	_ =	swait.ge [sflag:s12], $0x4000  }
0x34: {  	s18 =	smov.u32 s21;
	[sflag:s12] =	ssyncset.done $0x0  }
0x35: {  	s18 =	sadd.s32 s17, s10;
	[sflag:s12] =	ssyncadd.s32 $0xFFFFC000  }
0x36: {  	[tilespmem:s4], [sflag:$0x2] =	stream.linear.gather [hbm4b:s18+s4], $0x80, $0x38;
	[tilespmem:$0x18100] =	vst v63  }
0x37: {  	_ =	swait.ge [sflag:s12], $0x80  }
0x38: {  	[sflag:s12] =	ssyncset.done $0x0  }
0x39: {  	s31 =	sadd.s32 s17, s9;
	[sflag:s12] =	ssyncadd.s32 $0xFFFFFF80  }
0x3a: {  	[tilespmem:s13], [sflag:$0x2] =	stream.linear.gather [hbm4b:s31+s4], $0x80, $0x38;
	[tilespmem:$0x18100] =	vst v63  }
0x3b: {  	_ =	swait.ge [sflag:s12], $0x80  }
0x3c: {  	[sflag:s12] =	ssyncset.done $0x0  }
0x3d: {  	[sflag:s12] =	ssyncadd.s32 $0xFFFFFF80  }
0x3e: {  	[tilespmem:s14], [sflag:$0x1] =	stream.indirect.gather [hbm4b:s2+s13], $0x80, s4, s13, $0xb8;
	[tilespmem:$0x18100] =	vst v63  }
0x3f: {  	_ =	swait.ge [sflag:s15], $0x4000  }
0x40: {  	[sflag:s15] =	ssyncset.done $0x0  }
0x41: {  	[sflag:s15] =	ssyncadd.s32 $0xFFFFC000  }
0x42: {  	[spmem:s3] =	stream.indirect.scatter.add.f32 [tilespmem:s14], [sflag:$0x2], $0x80, s13, s13, $0xb8;
	[tilespmem:$0x18100] =	vst v63  }
0x43: {  	_ =	swait.ge [sflag:s12], $0x4000  }
0x44: {  	s16 =	sadd.s32 $0x1, s16;
	[sflag:s12] =	ssyncset.done $0x0  }
0x45: {  	p0 =	sne.s32 s16, s8;
	[sflag:s12] =	ssyncadd.s32 $0xFFFFC000  }
.Ltmp1:
0x46: {  	[bflag:$0x0] =	sbarrier.arrive $0xFFFF;
	(pc) =	sbr.rel @p0 .LBB2_1-.Ltmp1, $4  }
0x47: {  	[hbm:s7], [sflag:s6] =	dma.local [spmem:s11], $0x2800  }
0x48: {  	_ =	swait.ge [sflag:s12], $0x2800  }
0x49: {  	[sflag:s12] =	ssyncset.done $0x0  }
0x4a: {  	[sflag:s12] =	ssyncadd.s32 $0xFFFFD800  }
0x4b: {  	_ =	sfence.sel $0x180000  }
0x4c: {  	[bflag:$0x0] =	sbarrier.arrive $0xFFFF  }
0x4d: {  	p0 =	sne.s32 s1, $0x0;
	_ =	strace $0x9000004A  }
0x4e: {  	s0 =	sadd.s32 @!p0 $0x100000, s0;
	[bflag:$0x2] =	sbarrier.arrive $0xFFFF  }
0x4f: {  	[sflag:s0] =	ssyncadd.tile.s32 @!p0 $0x1;
	_ =	shalt  }
.Lfunc_end2:
_tile_overlayer_lowered:
.L_overlay_start_2:
0x50: {  	(tag) =	ssettag $0x2  }
0x51: {  	s0 =	rddreg [dreg:$0x0];
	s2 =	stileid.u32  }
0x52: {  	s1 =	rddreg [dreg:$0x1];
	p0 =	sne.s32 s2, $0x0  }
0x53: {  	s3 =	rddreg [dreg:$0x2];
	[bflag:$0x3] =	sbarrier.arrive $0xFFFF;
	s2 =	simm.s32 @!p0 $0x1C02  }
0x54: {  	[timem:s3], [sflag:s2] =	dma.local @!p0 [hbm:s0], s1  }
0x55: {  	s0 =	simm.s32 @!p0 $0x2  }
0x56: {  	_ =	swait.ge @!p0 [sflag:s0], s1  }
0x57: {  	s1 =	ssub.s32 @!p0 $0x0, s1;
	[sflag:s0] =	ssyncset.done @!p0 $0x0  }
0x58: {  	[sflag:s0] =	ssyncadd.s32 @!p0 s1  }
0x59: {  	[bflag:$0x3] =	sbarrier.arrive $0xFFFF  }
0x5a: {  	_ =	shalt  }

</sc_bundles>
